<compile_context>
chip_gen: v7x
topology: tpu7x:2x2x1
jax: 0.10.2.dev20260603
libtpu: 0.0.44.dev20260713+nightly
codegen_flags: <defaults>
</compile_context>

<pallas_src>
import functools

import jax
import jax.numpy as jnp
from jax import lax
from jax.experimental import pallas as pl
from jax.experimental.pallas import tpu as pltpu
from jax.experimental.pallas import tpu_sc as plsc

N_CELLS = 1024
N_GENES = 500
N_EMB = 100
BLOCK_E = 5


def _make_sc_gather():
    mesh = plsc.VectorSubcoreMesh(core_axis_name="c", subcore_axis_name="s",
                                  num_cores=1)
    per_w = 32
    n_full = N_GENES // per_w
    tail = N_GENES - n_full * per_w

    @functools.partial(
        pl.kernel,
        mesh=mesh,
        out_type=jax.ShapeDtypeStruct((N_GENES,), jnp.float32),
        scratch_types=[
            pltpu.VMEM((per_w,), jnp.int32),
            pltpu.VMEM((per_w,), jnp.float32),
            pltpu.SemaphoreType.DMA,
        ],
    )
    def gather_bias(table_hbm, idx_hbm, out_hbm, idx_v, rows_v, sem):
        wid = lax.axis_index("s")

        @pl.when(wid < n_full)
        def _full():
            base = wid * per_w
            pltpu.sync_copy(idx_hbm.at[pl.ds(base, per_w)], idx_v)
            pltpu.async_copy(table_hbm.at[idx_v], rows_v, sem).wait()
            pltpu.sync_copy(rows_v, out_hbm.at[pl.ds(base, per_w)])

        @pl.when(wid == n_full)
        def _tail():
            base = n_full * per_w
            pltpu.sync_copy(idx_hbm.at[pl.ds(base, tail)], idx_v.at[pl.ds(0, tail)])
            pltpu.async_copy(
                table_hbm.at[idx_v.at[pl.ds(0, tail)]], rows_v.at[pl.ds(0, tail)], sem
            ).wait()
            pltpu.sync_copy(rows_v.at[pl.ds(0, tail)], out_hbm.at[pl.ds(base, tail)])

    return gather_bias


_sc_gather = _make_sc_gather()


def _matvec_body(x_ref, w_ref, o_ref):
    i = pl.program_id(0)
    s = x_ref[0] * w_ref[i * BLOCK_E, 0]
    for k in range(1, BLOCK_E):
        s += x_ref[k] * w_ref[i * BLOCK_E + k, 0]

    @pl.when(i == 0)
    def _init():
        o_ref[...] = s

    @pl.when(i > 0)
    def _acc():
        o_ref[...] += s


def _tc_matvec(xt, w2):
    grid = (N_EMB // BLOCK_E,)
    return pl.pallas_call(
        _matvec_body,
        grid=grid,
        in_specs=[
            pl.BlockSpec((BLOCK_E, N_GENES, N_CELLS), lambda i: (i, 0, 0)),
            pl.BlockSpec(memory_space=pltpu.SMEM),
        ],
        out_specs=pl.BlockSpec((N_GENES, N_CELLS), lambda i: (0, 0)),
        out_shape=jax.ShapeDtypeStruct((N_GENES, N_CELLS), jnp.float32),
    )(xt, w2)


def _bias_body(p_ref, b_ref, o_ref):
    b = b_ref[...].reshape(N_GENES, 1)
    o_ref[...] = p_ref[...] + b


def _tc_bias_add(partial_t, bias_g):
    return pl.pallas_call(
        _bias_body,
        in_specs=[
            pl.BlockSpec((N_GENES, N_CELLS), lambda: (0, 0)),
            pl.BlockSpec((N_GENES,), lambda: (0,)),
        ],
        out_specs=pl.BlockSpec((N_GENES, N_CELLS), lambda: (0, 0)),
        out_shape=jax.ShapeDtypeStruct((N_GENES, N_CELLS), jnp.float32),
    )(partial_t, bias_g)


def kernel(cell_gene_embedding, gene_ix, weight1, bias1):
    xt = jnp.transpose(cell_gene_embedding, (2, 1, 0))
    partial_t = _tc_matvec(xt, weight1.reshape(N_EMB, 1))
    bias_g = _sc_gather(bias1, gene_ix.astype(jnp.int32))
    out_t = _tc_bias_add(partial_t, bias_g)
    return out_t.T

# --- scband reference (transcript-rebuilt; emitter-appended) ---
"""Pipeline reference for scband-embedding-to-expression-13855564497130 (READ-ONLY COPY).

The authoritative reference and input builder live on the scoring server;
editing this copy changes nothing except your own understanding.
"""

import jax, jax.numpy as jnp
import numpy as np

N_GENES_TOTAL = 20000
N_EMB = 100
N_CELLS = 1024
N_GENES_BATCH = 500


def setup_inputs(seed: int = 0) -> dict:
    key = jax.random.key(seed)
    k1, k2, k3, k4 = jax.random.split(key, 4)
    cell_gene_embedding = jax.random.normal(k1, (N_CELLS, N_GENES_BATCH, N_EMB), dtype=jnp.float32)
    gene_ix = jax.random.randint(k2, (N_GENES_BATCH,), 0, N_GENES_TOTAL, dtype=jnp.int64 if jax.config.jax_enable_x64 else jnp.int32)
    # learned parameter weight1 (init is zeros in the torch module; use small random values
    # so the computation is non-degenerate while keeping the same math)
    weight1 = jax.random.normal(k3, (N_EMB,), dtype=jnp.float32) * 0.02
    # bias1 = mean_gene_expression buffer, one scalar per gene in the genome
    bias1 = jax.random.normal(k4, (N_GENES_TOTAL,), dtype=jnp.float32)
    return {
        "cell_gene_embedding": cell_gene_embedding,
        "gene_ix": gene_ix,
        "weight1": weight1,
        "bias1": bias1,
    }


def reference(cell_gene_embedding, gene_ix, weight1, bias1):
    # (cell_gene_embedding * weight1).sum(-1) + bias1[gene_ix]
    out = jnp.sum(cell_gene_embedding * weight1, axis=-1)
    out = out + jnp.take(bias1, gene_ix, axis=0)
    return out

if __name__ == "__main__":
    import jax
    _d = setup_inputs()
    print(jax.jit(kernel)(*tuple(_d.values())))

</pallas_src>

<mosaic_0001>
#map = affine_map<(d0, d1) -> (0)>
module attributes {stable_mosaic.version = 14 : i64} {
  func.func @gather_bias(%arg0: i32, %arg1: i32, %arg2: memref<20000xf32, #tpu.memory_space<hbm>>, %arg3: memref<500xi32, #tpu.memory_space<hbm>>, %arg4: memref<500xf32, #tpu.memory_space<hbm>>, %arg5: memref<32xi32, #tpu.memory_space<vmem>>, %arg6: memref<32xf32, #tpu.memory_space<vmem>>, %arg7: memref<!tpu.dma_semaphore, #tpu.memory_space<semaphore_mem>>) attributes {dimension_semantics = [#tpu.dimension_semantics<core_parallel>, #tpu.dimension_semantics<subcore_parallel>], iteration_bounds = array<i64: 1, 16>, scalar_prefetch = 0 : i64, scratch_operands = 3 : i64, tpu.core_type = #tpu.core_type<sc_vector_subcore>, window_params = [{transform_indices = #map}, {transform_indices = #map}, {transform_indices = #map}]} {
    %lt3A = arith.constant 15 : i32
    %lt3A_0 = arith.cmpi slt, %arg1, %lt3A : i32
    %convert_element_type3A = arith.extui %lt3A_0 : i1 to i32
    %cond3A = arith.constant 0 : i32
    %cond3A_1 = arith.cmpi ne, %convert_element_type3A, %cond3A : i32
    scf.if %cond3A_1 {
      %mul3A = arith.constant 32 : i32
      %mul3A_6 = arith.muli %arg1, %mul3A : i32
      "tpu.region"() ({
        %run_scoped3A = tpu.sem_alloc : memref<!tpu.dma_semaphore, #tpu.memory_space<semaphore_mem>>
        %dma_start3A_9 = tpu.memref_slice %arg3[%mul3A_6] : memref<500xi32, #tpu.memory_space<hbm>> -> memref<32xi32, #tpu.memory_space<hbm>>
        %dma_start3A_10 = tpu.memref_slice %arg3[%mul3A_6] : memref<500xi32, #tpu.memory_space<hbm>> -> memref<32xi32, #tpu.memory_space<hbm>>
        tpu.enqueue_dma source(%dma_start3A_10 : memref<32xi32, #tpu.memory_space<hbm>>) target(%arg5 : memref<32xi32, #tpu.memory_space<vmem>>) target_semaphore(%run_scoped3A : memref<!tpu.dma_semaphore, #tpu.memory_space<semaphore_mem>>)
        %dma_wait3A_11 = tpu.memref_slice %arg3[%mul3A_6] : memref<500xi32, #tpu.memory_space<hbm>> -> memref<32xi32, #tpu.memory_space<hbm>>
        %dma_wait3A_12 = tpu.memref_slice %arg3[%mul3A_6] : memref<500xi32, #tpu.memory_space<hbm>> -> memref<32xi32, #tpu.memory_space<hbm>>
        tpu.wait_dma2 semaphore(%run_scoped3A : memref<!tpu.dma_semaphore, #tpu.memory_space<semaphore_mem>>) src(%dma_wait3A_12 : memref<32xi32, #tpu.memory_space<hbm>>) dst(%arg5 : memref<32xi32, #tpu.memory_space<vmem>>)
        tpu.yield
      }) : () -> ()
      %dma_start3A = arith.constant 0 : i32
      %dma_start3A_7 = tpu.memref_slice %arg2[%dma_start3A] : memref<20000xf32, #tpu.memory_space<hbm>> -> memref<20000xf32, #tpu.memory_space<hbm>>
      tpu.enqueue_indirect_dma source(%dma_start3A_7 : memref<20000xf32, #tpu.memory_space<hbm>>) target(%arg6 : memref<32xf32, #tpu.memory_space<vmem>>) offsets(%arg5 : memref<32xi32, #tpu.memory_space<vmem>>) semaphore(%arg7 : memref<!tpu.dma_semaphore, #tpu.memory_space<semaphore_mem>>)
      %dma_wait3A = arith.constant 0 : i32
      %dma_wait3A_8 = tpu.memref_slice %arg2[%dma_wait3A] : memref<20000xf32, #tpu.memory_space<hbm>> -> memref<20000xf32, #tpu.memory_space<hbm>>
      tpu.wait_indirect_dma semaphore(%arg7 : memref<!tpu.dma_semaphore, #tpu.memory_space<semaphore_mem>>) src(%dma_wait3A_8 : memref<20000xf32, #tpu.memory_space<hbm>>) dst(%arg6 : memref<32xf32, #tpu.memory_space<vmem>>)
      "tpu.region"() ({
        %run_scoped3A = tpu.sem_alloc : memref<!tpu.dma_semaphore, #tpu.memory_space<semaphore_mem>>
        %dma_start3A_9 = tpu.memref_slice %arg4[%mul3A_6] : memref<500xf32, #tpu.memory_space<hbm>> -> memref<32xf32, #tpu.memory_space<hbm>>
        %dma_start3A_10 = tpu.memref_slice %arg4[%mul3A_6] : memref<500xf32, #tpu.memory_space<hbm>> -> memref<32xf32, #tpu.memory_space<hbm>>
        tpu.enqueue_dma source(%arg6 : memref<32xf32, #tpu.memory_space<vmem>>) target(%dma_start3A_10 : memref<32xf32, #tpu.memory_space<hbm>>) target_semaphore(%run_scoped3A : memref<!tpu.dma_semaphore, #tpu.memory_space<semaphore_mem>>)
        %dma_wait3A_11 = tpu.memref_slice %arg4[%mul3A_6] : memref<500xf32, #tpu.memory_space<hbm>> -> memref<32xf32, #tpu.memory_space<hbm>>
        %dma_wait3A_12 = tpu.memref_slice %arg4[%mul3A_6] : memref<500xf32, #tpu.memory_space<hbm>> -> memref<32xf32, #tpu.memory_space<hbm>>
        tpu.wait_dma2 semaphore(%run_scoped3A : memref<!tpu.dma_semaphore, #tpu.memory_space<semaphore_mem>>) src(%arg6 : memref<32xf32, #tpu.memory_space<vmem>>) dst(%dma_wait3A_12 : memref<32xf32, #tpu.memory_space<hbm>>)
        tpu.yield
      }) : () -> ()
    } else {
    }
    %eq3A = arith.constant 15 : i32
    %eq3A_2 = arith.cmpi eq, %arg1, %eq3A : i32
    %convert_element_type3A_3 = arith.extui %eq3A_2 : i1 to i32
    %cond3A_4 = arith.constant 0 : i32
    %cond3A_5 = arith.cmpi ne, %convert_element_type3A_3, %cond3A_4 : i32
    scf.if %cond3A_5 {
      "tpu.region"() ({
        %run_scoped3A = tpu.sem_alloc : memref<!tpu.dma_semaphore, #tpu.memory_space<semaphore_mem>>
        %dma_start3A_16 = arith.constant 0 : i32
        %dma_start3A_17 = tpu.memref_slice %arg5[%dma_start3A_16] : memref<32xi32, #tpu.memory_space<vmem>> -> memref<20xi32, #tpu.memory_space<vmem>>
        %dma_start3A_18 = arith.constant 480 : i32
        %dma_start3A_19 = tpu.memref_slice %arg3[%dma_start3A_18] : memref<500xi32, #tpu.memory_space<hbm>> -> memref<20xi32, #tpu.memory_space<hbm>>
        %dma_start3A_20 = arith.constant 0 : i32
        %dma_start3A_21 = tpu.memref_slice %arg5[%dma_start3A_20] : memref<32xi32, #tpu.memory_space<vmem>> -> memref<20xi32, #tpu.memory_space<vmem>>
        %dma_start3A_22 = arith.constant 480 : i32
        %dma_start3A_23 = tpu.memref_slice %arg3[%dma_start3A_22] : memref<500xi32, #tpu.memory_space<hbm>> -> memref<20xi32, #tpu.memory_space<hbm>>
        tpu.enqueue_dma source(%dma_start3A_23 : memref<20xi32, #tpu.memory_space<hbm>>) target(%dma_start3A_21 : memref<20xi32, #tpu.memory_space<vmem>>) target_semaphore(%run_scoped3A : memref<!tpu.dma_semaphore, #tpu.memory_space<semaphore_mem>>)
        %dma_wait3A_24 = arith.constant 0 : i32
        %dma_wait3A_25 = tpu.memref_slice %arg5[%dma_wait3A_24] : memref<32xi32, #tpu.memory_space<vmem>> -> memref<20xi32, #tpu.memory_space<vmem>>
        %dma_wait3A_26 = arith.constant 480 : i32
        %dma_wait3A_27 = tpu.memref_slice %arg3[%dma_wait3A_26] : memref<500xi32, #tpu.memory_space<hbm>> -> memref<20xi32, #tpu.memory_space<hbm>>
        %dma_wait3A_28 = arith.constant 0 : i32
        %dma_wait3A_29 = tpu.memref_slice %arg5[%dma_wait3A_28] : memref<32xi32, #tpu.memory_space<vmem>> -> memref<20xi32, #tpu.memory_space<vmem>>
        %dma_wait3A_30 = arith.constant 480 : i32
        %dma_wait3A_31 = tpu.memref_slice %arg3[%dma_wait3A_30] : memref<500xi32, #tpu.memory_space<hbm>> -> memref<20xi32, #tpu.memory_space<hbm>>
        tpu.wait_dma2 semaphore(%run_scoped3A : memref<!tpu.dma_semaphore, #tpu.memory_space<semaphore_mem>>) src(%dma_wait3A_31 : memref<20xi32, #tpu.memory_space<hbm>>) dst(%dma_wait3A_29 : memref<20xi32, #tpu.memory_space<vmem>>)
        tpu.yield
      }) : () -> ()
      %dma_start3A = arith.constant 0 : i32
      %dma_start3A_6 = tpu.memref_slice %arg6[%dma_start3A] : memref<32xf32, #tpu.memory_space<vmem>> -> memref<20xf32, #tpu.memory_space<vmem>>
      %dma_start3A_7 = arith.constant 0 : i32
      %dma_start3A_8 = tpu.memref_slice %arg5[%dma_start3A_7] : memref<32xi32, #tpu.memory_space<vmem>> -> memref<20xi32, #tpu.memory_space<vmem>>
      %dma_start3A_9 = arith.constant 0 : i32
      %dma_start3A_10 = tpu.memref_slice %arg2[%dma_start3A_9] : memref<20000xf32, #tpu.memory_space<hbm>> -> memref<20000xf32, #tpu.memory_space<hbm>>
      tpu.enqueue_indirect_dma source(%dma_start3A_10 : memref<20000xf32, #tpu.memory_space<hbm>>) target(%dma_start3A_6 : memref<20xf32, #tpu.memory_space<vmem>>) offsets(%dma_start3A_8 : memref<20xi32, #tpu.memory_space<vmem>>) semaphore(%arg7 : memref<!tpu.dma_semaphore, #tpu.memory_space<semaphore_mem>>)
      %dma_wait3A = arith.constant 0 : i32
      %dma_wait3A_11 = tpu.memref_slice %arg6[%dma_wait3A] : memref<32xf32, #tpu.memory_space<vmem>> -> memref<20xf32, #tpu.memory_space<vmem>>
      %dma_wait3A_12 = arith.constant 0 : i32
      %dma_wait3A_13 = tpu.memref_slice %arg5[%dma_wait3A_12] : memref<32xi32, #tpu.memory_space<vmem>> -> memref<20xi32, #tpu.memory_space<vmem>>
      %dma_wait3A_14 = arith.constant 0 : i32
      %dma_wait3A_15 = tpu.memref_slice %arg2[%dma_wait3A_14] : memref<20000xf32, #tpu.memory_space<hbm>> -> memref<20000xf32, #tpu.memory_space<hbm>>
      tpu.wait_indirect_dma semaphore(%arg7 : memref<!tpu.dma_semaphore, #tpu.memory_space<semaphore_mem>>) src(%dma_wait3A_15 : memref<20000xf32, #tpu.memory_space<hbm>>) dst(%dma_wait3A_11 : memref<20xf32, #tpu.memory_space<vmem>>)
      "tpu.region"() ({
        %run_scoped3A = tpu.sem_alloc : memref<!tpu.dma_semaphore, #tpu.memory_space<semaphore_mem>>
        %dma_start3A_16 = arith.constant 0 : i32
        %dma_start3A_17 = tpu.memref_slice %arg6[%dma_start3A_16] : memref<32xf32, #tpu.memory_space<vmem>> -> memref<20xf32, #tpu.memory_space<vmem>>
        %dma_start3A_18 = arith.constant 480 : i32
        %dma_start3A_19 = tpu.memref_slice %arg4[%dma_start3A_18] : memref<500xf32, #tpu.memory_space<hbm>> -> memref<20xf32, #tpu.memory_space<hbm>>
        %dma_start3A_20 = arith.constant 480 : i32
        %dma_start3A_21 = tpu.memref_slice %arg4[%dma_start3A_20] : memref<500xf32, #tpu.memory_space<hbm>> -> memref<20xf32, #tpu.memory_space<hbm>>
        %dma_start3A_22 = arith.constant 0 : i32
        %dma_start3A_23 = tpu.memref_slice %arg6[%dma_start3A_22] : memref<32xf32, #tpu.memory_space<vmem>> -> memref<20xf32, #tpu.memory_space<vmem>>
        tpu.enqueue_dma source(%dma_start3A_23 : memref<20xf32, #tpu.memory_space<vmem>>) target(%dma_start3A_21 : memref<20xf32, #tpu.memory_space<hbm>>) target_semaphore(%run_scoped3A : memref<!tpu.dma_semaphore, #tpu.memory_space<semaphore_mem>>)
        %dma_wait3A_24 = arith.constant 0 : i32
        %dma_wait3A_25 = tpu.memref_slice %arg6[%dma_wait3A_24] : memref<32xf32, #tpu.memory_space<vmem>> -> memref<20xf32, #tpu.memory_space<vmem>>
        %dma_wait3A_26 = arith.constant 480 : i32
        %dma_wait3A_27 = tpu.memref_slice %arg4[%dma_wait3A_26] : memref<500xf32, #tpu.memory_space<hbm>> -> memref<20xf32, #tpu.memory_space<hbm>>
        %dma_wait3A_28 = arith.constant 480 : i32
        %dma_wait3A_29 = tpu.memref_slice %arg4[%dma_wait3A_28] : memref<500xf32, #tpu.memory_space<hbm>> -> memref<20xf32, #tpu.memory_space<hbm>>
        %dma_wait3A_30 = arith.constant 0 : i32
        %dma_wait3A_31 = tpu.memref_slice %arg6[%dma_wait3A_30] : memref<32xf32, #tpu.memory_space<vmem>> -> memref<20xf32, #tpu.memory_space<vmem>>
        tpu.wait_dma2 semaphore(%run_scoped3A : memref<!tpu.dma_semaphore, #tpu.memory_space<semaphore_mem>>) src(%dma_wait3A_31 : memref<20xf32, #tpu.memory_space<vmem>>) dst(%dma_wait3A_29 : memref<20xf32, #tpu.memory_space<hbm>>)
        tpu.yield
      }) : () -> ()
    } else {
    }
    return
  }
}

module attributes {stable_mosaic.version = 14 : i64} {
  func.func @_matvec_body(%arg0: i32, %arg1: memref<5x500x1024xf32, #tpu.memory_space<vmem>>, %arg2: memref<100x1xf32, #tpu.memory_space<smem>>, %arg3: memref<500x1024xf32, #tpu.memory_space<vmem>>) attributes {dimension_semantics = [#tpu.dimension_semantics<arbitrary>], iteration_bounds = array<i64: 20>, scalar_prefetch = 0 : i64, scratch_operands = 0 : i64, tpu.core_type = #tpu.core_type<tc>, window_params = [{transform_indices = @transform_0, window_bounds = array<i64: 5, 500, 1024>}, {transform_indices = @transform_1, window_bounds = array<i64: 100, 1>}, {pipeline_mode = #tpu.pipeline_mode<synchronous>, transform_indices = @transform_2, window_bounds = array<i64: 500, 1024>}]} {
    %get3A = arith.constant 0 : index
    %get3A_0 = arith.constant 0 : index
    %get3A_1 = arith.constant 0 : index
    %get3A_2 = vector.load %arg1[%get3A, %get3A_0, %get3A_1] : memref<5x500x1024xf32, #tpu.memory_space<vmem>>, vector<1x500x1024xf32>
    %get3A_3 = vector.shape_cast %get3A_2 : vector<1x500x1024xf32> to vector<500x1024xf32>
    %mul3A = arith.constant 5 : i32
    %mul3A_4 = arith.muli %arg0, %mul3A : i32
    %get3A_5 = arith.index_cast %mul3A_4 : i32 to index
    %get3A_6 = arith.constant 0 : index
    %get3A_7 = memref.load %arg2[%get3A_5, %get3A_6] : memref<100x1xf32, #tpu.memory_space<smem>>
    %mul3A_8 = vector.broadcast %get3A_7 : f32 to vector<500x1024xf32>
    %mul3A_9 = arith.mulf %get3A_3, %mul3A_8 : vector<500x1024xf32>
    %get3A_10 = arith.constant 1 : index
    %get3A_11 = arith.constant 0 : index
    %get3A_12 = arith.constant 0 : index
    %get3A_13 = vector.load %arg1[%get3A_10, %get3A_11, %get3A_12] : memref<5x500x1024xf32, #tpu.memory_space<vmem>>, vector<1x500x1024xf32>
    %get3A_14 = vector.shape_cast %get3A_13 : vector<1x500x1024xf32> to vector<500x1024xf32>
    %mul3A_15 = arith.constant 5 : i32
    %mul3A_16 = arith.muli %arg0, %mul3A_15 : i32
    %add3A = arith.constant 1 : i32
    %add3A_17 = arith.addi %mul3A_16, %add3A : i32
    %get3A_18 = arith.index_cast %add3A_17 : i32 to index
    %get3A_19 = arith.constant 0 : index
    %get3A_20 = memref.load %arg2[%get3A_18, %get3A_19] : memref<100x1xf32, #tpu.memory_space<smem>>
    %mul3A_21 = vector.broadcast %get3A_20 : f32 to vector<500x1024xf32>
    %mul3A_22 = arith.mulf %get3A_14, %mul3A_21 : vector<500x1024xf32>
    %add3A_23 = arith.addf %mul3A_9, %mul3A_22 : vector<500x1024xf32>
    %get3A_24 = arith.constant 2 : index
    %get3A_25 = arith.constant 0 : index
    %get3A_26 = arith.constant 0 : index
    %get3A_27 = vector.load %arg1[%get3A_24, %get3A_25, %get3A_26] : memref<5x500x1024xf32, #tpu.memory_space<vmem>>, vector<1x500x1024xf32>
    %get3A_28 = vector.shape_cast %get3A_27 : vector<1x500x1024xf32> to vector<500x1024xf32>
    %mul3A_29 = arith.constant 5 : i32
    %mul3A_30 = arith.muli %arg0, %mul3A_29 : i32
    %add3A_31 = arith.constant 2 : i32
    %add3A_32 = arith.addi %mul3A_30, %add3A_31 : i32
    %get3A_33 = arith.index_cast %add3A_32 : i32 to index
    %get3A_34 = arith.constant 0 : index
    %get3A_35 = memref.load %arg2[%get3A_33, %get3A_34] : memref<100x1xf32, #tpu.memory_space<smem>>
    %mul3A_36 = vector.broadcast %get3A_35 : f32 to vector<500x1024xf32>
    %mul3A_37 = arith.mulf %get3A_28, %mul3A_36 : vector<500x1024xf32>
    %add3A_38 = arith.addf %add3A_23, %mul3A_37 : vector<500x1024xf32>
    %get3A_39 = arith.constant 3 : index
    %get3A_40 = arith.constant 0 : index
    %get3A_41 = arith.constant 0 : index
    %get3A_42 = vector.load %arg1[%get3A_39, %get3A_40, %get3A_41] : memref<5x500x1024xf32, #tpu.memory_space<vmem>>, vector<1x500x1024xf32>
    %get3A_43 = vector.shape_cast %get3A_42 : vector<1x500x1024xf32> to vector<500x1024xf32>
    %mul3A_44 = arith.constant 5 : i32
    %mul3A_45 = arith.muli %arg0, %mul3A_44 : i32
    %add3A_46 = arith.constant 3 : i32
    %add3A_47 = arith.addi %mul3A_45, %add3A_46 : i32
    %get3A_48 = arith.index_cast %add3A_47 : i32 to index
    %get3A_49 = arith.constant 0 : index
    %get3A_50 = memref.load %arg2[%get3A_48, %get3A_49] : memref<100x1xf32, #tpu.memory_space<smem>>
    %mul3A_51 = vector.broadcast %get3A_50 : f32 to vector<500x1024xf32>
    %mul3A_52 = arith.mulf %get3A_43, %mul3A_51 : vector<500x1024xf32>
    %add3A_53 = arith.addf %add3A_38, %mul3A_52 : vector<500x1024xf32>
    %get3A_54 = arith.constant 4 : index
    %get3A_55 = arith.constant 0 : index
    %get3A_56 = arith.constant 0 : index
    %get3A_57 = vector.load %arg1[%get3A_54, %get3A_55, %get3A_56] : memref<5x500x1024xf32, #tpu.memory_space<vmem>>, vector<1x500x1024xf32>
    %get3A_58 = vector.shape_cast %get3A_57 : vector<1x500x1024xf32> to vector<500x1024xf32>
    %mul3A_59 = arith.constant 5 : i32
    %mul3A_60 = arith.muli %arg0, %mul3A_59 : i32
    %add3A_61 = arith.constant 4 : i32
    %add3A_62 = arith.addi %mul3A_60, %add3A_61 : i32
    %get3A_63 = arith.index_cast %add3A_62 : i32 to index
    %get3A_64 = arith.constant 0 : index
    %get3A_65 = memref.load %arg2[%get3A_63, %get3A_64] : memref<100x1xf32, #tpu.memory_space<smem>>
    %mul3A_66 = vector.broadcast %get3A_65 : f32 to vector<500x1024xf32>
    %mul3A_67 = arith.mulf %get3A_58, %mul3A_66 : vector<500x1024xf32>
    %add3A_68 = arith.addf %add3A_53, %mul3A_67 : vector<500x1024xf32>
    %eq3A = arith.constant 0 : i32
    %eq3A_69 = arith.cmpi eq, %arg0, %eq3A : i32
    %convert_element_type3A = arith.extui %eq3A_69 : i1 to i32
    %cond3A = arith.constant 0 : i32
    %cond3A_70 = arith.cmpi ne, %convert_element_type3A, %cond3A : i32
    scf.if %cond3A_70 {
      %swap3A = arith.constant 0 : index
      %swap3A_75 = arith.constant 0 : index
      %swap3A_76 = vector.load %arg3[%swap3A, %swap3A_75] : memref<500x1024xf32, #tpu.memory_space<vmem>>, vector<500x1024xf32>
      tpu.vector_store %arg3[%swap3A, %swap3A_75], %add3A_68 {strides = array<i32>} : memref<500x1024xf32, #tpu.memory_space<vmem>>, vector<500x1024xf32>,
    } else {
    }
    %gt3A = arith.constant 0 : i32
    %gt3A_71 = arith.cmpi sgt, %arg0, %gt3A : i32
    %convert_element_type3A_72 = arith.extui %gt3A_71 : i1 to i32
    %cond3A_73 = arith.constant 0 : i32
    %cond3A_74 = arith.cmpi ne, %convert_element_type3A_72, %cond3A_73 : i32
    scf.if %cond3A_74 {
      %get3A_75 = arith.constant 0 : index
      %get3A_76 = arith.constant 0 : index
      %get3A_77 = vector.load %arg3[%get3A_75, %get3A_76] : memref<500x1024xf32, #tpu.memory_space<vmem>>, vector<500x1024xf32>
      %add3A_78 = arith.addf %get3A_77, %add3A_68 : vector<500x1024xf32>
      %swap3A = arith.constant 0 : index
      %swap3A_79 = arith.constant 0 : index
      %swap3A_80 = vector.load %arg3[%swap3A, %swap3A_79] : memref<500x1024xf32, #tpu.memory_space<vmem>>, vector<500x1024xf32>
      tpu.vector_store %arg3[%swap3A, %swap3A_79], %add3A_78 {strides = array<i32>} : memref<500x1024xf32, #tpu.memory_space<vmem>>, vector<500x1024xf32>,
    } else {
    }
    return
  }
  func.func @transform_0(%arg0: i32) -> (i32, i32, i32) {
    %c0_i32 = arith.constant 0 : i32
    %c0_i32_0 = arith.constant 0 : i32
    %c0_i32_1 = arith.constant 0 : i32
    return %arg0, %c0_i32, %c0_i32_0 : i32, i32, i32
  }
  func.func @transform_1(%arg0: i32) -> (i32, i32) {
    %c0_i32 = arith.constant 0 : i32
    %c0_i32_0 = arith.constant 0 : i32
    %c0_i32_1 = arith.constant 0 : i32
    return %c0_i32, %c0_i32_0 : i32, i32
  }
  func.func @transform_2(%arg0: i32) -> (i32, i32) {
    %c0_i32 = arith.constant 0 : i32
    %c0_i32_0 = arith.constant 0 : i32
    %c0_i32_1 = arith.constant 0 : i32
    return %c0_i32, %c0_i32_0 : i32, i32
  }
}

module attributes {stable_mosaic.version = 14 : i64} {
  func.func @_bias_body(%arg0: memref<500x1024xf32, #tpu.memory_space<vmem>>, %arg1: memref<500xf32, #tpu.memory_space<vmem>>, %arg2: memref<500x1024xf32, #tpu.memory_space<vmem>>) attributes {dimension_semantics = [], scalar_prefetch = 0 : i64, scratch_operands = 0 : i64, tpu.core_type = #tpu.core_type<tc>} {
    %get3A = arith.constant 0 : index
    %get3A_0 = vector.load %arg1[%get3A] : memref<500xf32, #tpu.memory_space<vmem>>, vector<500xf32>
    %reshape3A = vector.shape_cast %get3A_0 : vector<500xf32> to vector<500x1xf32>
    %get3A_1 = arith.constant 0 : index
    %get3A_2 = arith.constant 0 : index
    %get3A_3 = vector.load %arg0[%get3A_1, %get3A_2] : memref<500x1024xf32, #tpu.memory_space<vmem>>, vector<500x1024xf32>
    %add3A = vector.broadcast %reshape3A : vector<500x1xf32> to vector<500x1024xf32>
    %add3A_4 = arith.addf %get3A_3, %add3A : vector<500x1024xf32>
    %swap3A = arith.constant 0 : index
    %swap3A_5 = arith.constant 0 : index
    %swap3A_6 = vector.load %arg2[%swap3A, %swap3A_5] : memref<500x1024xf32, #tpu.memory_space<vmem>>, vector<500x1024xf32>
    tpu.vector_store %arg2[%swap3A, %swap3A_5], %add3A_4 {strides = array<i32>} : memref<500x1024xf32, #tpu.memory_space<vmem>>, vector<500x1024xf32>,
    return
  }
}

</mosaic_0001>

<sc_bundles>
// kernel: kernel.5.cloned.1.call-start
scs
__scs_entry_jumppad:
0x0: {  	(pc) =	sbr.rel $0x88, $3  }
0x1: {  	(tag) =	ssettag $0x0;
	lr =	simm.s32 $0x1  }
0x2: {  	[smem:$0x3F9D] =	sst lr;
	_ =	strace $0xD0000000  }
0x3: {  	_ = 	snop  }
0x4: {  	_ = 	snop  }
0x5: {  	_ = 	snop  }
0x6: {  	_ = 	snop  }
0x7: {  	_ = 	snop  }
__scs_overlays_trampoline_lowered:
0x8: {  	[smem:$0x3FAC] =	sst s0  }
0x9: {  	[smem:$0x3FAD] =	sst s1  }
0xa: {  	[smem:$0x3FAE] =	sst s2  }
0xb: {  	[smem:$0x3FAF] =	sst s3  }
0xc: {  	[smem:$0x3FB0] =	sst s4  }
0xd: {  	[smem:$0x3FB1] =	sst s5  }
0xe: {  	[smem:$0x3FB2] =	sst s6  }
0xf: {  	[smem:$0x3FB3] =	sst s7  }
0x10: {  	[smem:$0x3FB4] =	sst s8  }
0x11: {  	[smem:$0x3FB5] =	sst s9;
	s0 =	simm.s32 @!p0 $0x0  }
0x12: {  	s1 =	sld [smem:$0x3F9B];
	s0 =	simm.s32 @p0 $0x1  }
0x13: {  	[smem:$0x3FB6] =	sst s0;
	s0 =	simm.s32 @!p1 $0x0  }
0x14: {  	s2 =	sld [smem:$0x3F9A];
	s0 =	simm.s32 @p1 $0x1  }
0x15: {  	[smem:$0x3FB7] =	sst s0;
	s0 =	simm.s32 @!p2 $0x0  }
0x16: {  	s3 =	sld [smem:$0x3FDB];
	s0 =	simm.s32 @p2 $0x1  }
0x17: {  	s4 =	simm.s32 $0x1BF5;
	[smem:$0x3FB9] =	sst s0  }
0x18: {  	s0 =	sld [smem:$0x3F9C];
	_ =	swait.ge [sflag:s4], $0x0  }
0x19: {  	s7 =	sld [smem:$0x3F9D]  }
0x1a: {  	s8 =	sadd.s32 $0xFFFFE003, lr  }
0x1b: {  	s9 =	sadd.s32 $0xFFFFFEF7, lr;
	s5 =	simm.s32 $0xFFFFFFFF;
	p2 =	slt.u32 s8, $0xFFFFF086  }
0x1c: {  	p1 =	slt.u32 s9, $0xF7A;
	s5 =	simm.s32 @!p2 $0x0  }
0x1d: {  	s5 =	simm.s32 @p1 $0x1;
	p0 =	seq.s32 s7, s2  }
0x1e: {  	s7 =	smul.u32 @!p0 $0xF7A, s2;
	p2 =	seq.s32 @!p0 s5, $0x0  }
0x1f: {  	s9 =	smul.u32 $0xF7A, s1;
	s8 =	simm.s32 @!p0 $0x1BF5;
	p2 =	por !p2, p0  }
0x20: {  	[sflag:s8] =	ssyncset.s32 @!p0 $0xFFFFF086;
	s6 =	sadd.s32 @!p0 s3, s7;
	s7 =	simm.s32 @!p0 $0x108  }
0x21: {  	s3 =	sadd.s32 s3, s9;
	s6 =	sadd.s32 @!p0 $0x88, s6;
	s7 =	simm.s32 @p2 $0x1082  }
0x22: {  	[simem:s7], [sflag:s8] =	dma.local @!p0 [hbm:s6], $0xF7A  }
0x23: {  	s9 =	sor.u32 $0xD0000000, s2;
	s6 =	simm.s32 $0x108;
	_ =	swait.ge @!p0 [sflag:s8], $0x0  }
0x24: {  	s3 =	sadd.s32 $0x88, s3;
	s6 =	simm.s32 @!p1 $0x1082;
	[sflag:s4] =	ssyncset.s32 $0xFFFFF086  }
0x25: {  	[simem:s6], [sflag:s4] =	dma.local [hbm:s3], $0xF7A  }
0x26: {  	[smem:$0x3F9D] =	sst s1;
	(tag) =	ssettag s2;
	_ =	strace s9  }
0x27: {  	s1 =	sld [smem:$0x3FAD]  }
0x28: {  	s2 =	sld [smem:$0x3FAE]  }
0x29: {  	s4 =	sld [smem:$0x3FB0]  }
0x2a: {  	p0 =	seq.s32 s5, $0x0;
	s5 =	sld [smem:$0x3FB1]  }
0x2b: {  	s6 =	sld [smem:$0x3FB2]  }
0x2c: {  	s7 =	sld [smem:$0x3FB3]  }
0x2d: {  	s3 =	simm.s32 $0x108;
	s8 =	sld [smem:$0x3FB4]  }
0x2e: {  	s3 =	simm.s32 @!p0 $0x1082;
	s9 =	sld [smem:$0x3FB5]  }
0x2f: {  	lr =	sadd.s32 s0, s3;
	s0 =	sld [smem:$0x3FAC]  }
0x30: {  	s3 =	sld [smem:$0x3FAF]  }
0x31: {  	[smem:$0x3FB8] =	sst s10  }
0x32: {  	s10 =	sld [smem:$0x3FB6];
	_ =	sdelay $0x3  }
0x33: {  	p0 =	seq.s32 s10, $0x1;
	s10 =	sld [smem:$0x3FB8];
	_ =	sdelay $0x3  }
0x34: {  	[smem:$0x3FB8] =	sst s10  }
0x35: {  	s10 =	sld [smem:$0x3FB7];
	_ =	sdelay $0x3  }
0x36: {  	p1 =	seq.s32 s10, $0x1;
	s10 =	sld [smem:$0x3FB8];
	_ =	sdelay $0x3  }
0x37: {  	[smem:$0x3FB8] =	sst s10  }
0x38: {  	s10 =	sld [smem:$0x3FB9]  }
0x39: {  	_ = 	snop;
	(pc) =	sbr.ind lr, $3  }
0x3a: {  	_ = 	snop  }
0x3b: {  	_ = 	snop  }
0x3c: {  	p2 =	seq.s32 s10, $0x1;
	s10 =	sld [smem:$0x3FB8]  }
0x3d: {  	_ =	shalt  }
0x3e: {  	_ =	shalt  }
0x3f: {  	_ =	shalt  }
0x40: {  	_ =	shalt  }
0x41: {  	_ =	shalt  }
0x42: {  	_ =	shalt  }
0x43: {  	_ =	shalt  }
0x44: {  	_ =	shalt  }
0x45: {  	_ =	shalt  }
0x46: {  	_ =	shalt  }
0x47: {  	_ =	shalt  }
0x48: {  	_ =	shalt  }
0x49: {  	_ =	shalt  }
0x4a: {  	_ =	shalt  }
0x4b: {  	_ =	shalt  }
0x4c: {  	_ =	shalt  }
0x4d: {  	_ =	shalt  }
0x4e: {  	_ =	shalt  }
0x4f: {  	_ =	shalt  }
0x50: {  	_ =	shalt  }
0x51: {  	_ =	shalt  }
0x52: {  	_ =	shalt  }
0x53: {  	_ =	shalt  }
0x54: {  	_ =	shalt  }
0x55: {  	_ =	shalt  }
0x56: {  	_ =	shalt  }
0x57: {  	_ =	shalt  }
0x58: {  	_ =	shalt  }
0x59: {  	_ =	shalt  }
0x5a: {  	_ =	shalt  }
0x5b: {  	_ =	shalt  }
0x5c: {  	_ =	shalt  }
0x5d: {  	_ =	shalt  }
0x5e: {  	_ =	shalt  }
0x5f: {  	_ =	shalt  }
0x60: {  	_ =	shalt  }
0x61: {  	_ =	shalt  }
0x62: {  	_ =	shalt  }
0x63: {  	_ =	shalt  }
0x64: {  	_ =	shalt  }
0x65: {  	_ =	shalt  }
0x66: {  	_ =	shalt  }
0x67: {  	_ =	shalt  }
0x68: {  	_ =	shalt  }
0x69: {  	_ =	shalt  }
0x6a: {  	_ =	shalt  }
0x6b: {  	_ =	shalt  }
0x6c: {  	_ =	shalt  }
0x6d: {  	_ =	shalt  }
0x6e: {  	_ =	shalt  }
0x6f: {  	_ =	shalt  }
0x70: {  	_ =	shalt  }
0x71: {  	_ =	shalt  }
0x72: {  	_ =	shalt  }
0x73: {  	_ =	shalt  }
0x74: {  	_ =	shalt  }
0x75: {  	_ =	shalt  }
0x76: {  	_ =	shalt  }
0x77: {  	_ =	shalt  }
0x78: {  	_ =	shalt  }
0x79: {  	_ =	shalt  }
0x7a: {  	_ =	shalt  }
0x7b: {  	_ =	shalt  }
0x7c: {  	_ =	shalt  }
0x7d: {  	_ =	shalt  }
0x7e: {  	_ =	shalt  }
0x7f: {  	_ =	shalt  }
0x80: {  	_ =	shalt  }
0x81: {  	_ =	shalt  }
0x82: {  	_ =	shalt  }
0x83: {  	_ =	shalt  }
0x84: {  	_ =	shalt  }
0x85: {  	_ =	shalt  }
0x86: {  	_ =	shalt  }
0x87: {  	_ =	shalt  }
.Lfunc_end0:
.L_simem_size_0:
called_computation_lowered:
.L_overlay_start_0:
0x88: {  	s0 =	sld [smem:$0x3FD9]  }
0x89: {  	s1 =	sld [smem:$0x3FFE];
	_ =	sdelay $0x3  }
0x8a: {  	s0 =	sadd.s32 s1, s0  }
0x8b: {  	[smem:$0x3FC4] =	sst s0  }
0x8c: {  	_ = 	snop  }
0x8d: {  	s0 =	sld [smem:$0x3FC8]  }
0x8e: {  	s17 =	sld [smem:$0x3FC6]  }
0x8f: {  	s2 =	sld [smem:$0x3FD0];
	(tm) =	ssettm $0x1  }
0x90: {  	s3 =	sld [smem:$0x3FFB];
	_ =	sdelay $0x3  }
0x91: {  	_ =	strace s3  }
0x92: {  	s3 =	sld [smem:$0x3FFC];
	_ =	sdelay $0x3  }
0x93: {  	_ =	strace s3  }
0x94: {  	s3 =	sld [smem:$0x3FFD];
	_ =	sdelay $0x3  }
0x95: {  	_ =	strace s3  }
0x96: {  	_ =	strace $0x8FFFFFFF  }
0x97: {  	s18 =	sld [smem:$0x3FDB];
	_ =	sdelay $0x1  }
0x98: {  	s4 =	simm.s32 $_scs_section_size  }
0x99: {  	s5 =	simm.s32 $_size__tile_overlayer_lowered;
	s6 =	simm.s32 $_tile_overlayer_lowered  }
0x9a: {  	s21 =	simm.s32 $0x1BFF;
	s20 =	sshll.u32 s6, $0x1;
	s3 =	sadd.s32 s4, s18  }
0x9b: {  	s7 =	simm.s32 $0x0;
	s19 =	sshll.u32 s5, $0x1;
	s5 =	sadd.s32 s20, s3  }
0x9c: {  	[timem:s7], [sflag:s21] =	dma.local [hbm:s5], s19  }
0x9d: {  	_ =	swait.ge [sflag:s21], s19  }
0x9e: {  	s4 =	ssub.s32 $0x0, s19;
	[sflag:s21] =	ssyncset.done $0x0  }
0x9f: {  	[sflag:s21] =	ssyncadd.s32 s4;
	_ =	sdelay $0x1  }
0xa0: {  	s22 =	simm.s32 $0x1B8B  }
0xa1: {  	_ =	swait.ge [sflag:s22], $0x1  }
0xa2: {  	[sflag:s22] =	ssyncset.done $0x0  }
0xa3: {  	s23 =	simm.s32 $0x1B8E;
	[sflag:s22] =	ssyncadd.s32 $0xFFFFFFFF  }
0xa4: {  	s24 =	simm.s32 $execute0_lowered;
	[smem:$0x3FD2] =	sst s23  }
0xa5: {  	s4 =	sshll.u32 s24, $0x1;
	_ =	strace $0x80000046;
	[dreg:$0x1] =	wrdreg $0xFFFFFFFF  }
0xa6: {  	s25 =	simm.s32 $_size_execute0_lowered;
	s3 =	sadd.s32 s3, s4;
	[dreg:$0x0] =	wrdreg $0x0  }
0xa7: {  	s4 =	sshll.u32 s25, $0x1;
	[dreg:$0x2] =	wrdreg s3  }
0xa8: {  	[dreg:$0x3] =	wrdreg s4  }
0xa9: {  	[dreg:$0x4] =	wrdreg $0xC0  }
0xaa: {  	_ =	task [dreg:s7], $0x5FFFF  }
0xab: {  	[dreg:$0x1] =	wrdreg $0xFFFFFFFF  }
0xac: {  	[dreg:$0x0] =	wrdreg $0x60  }
0xad: {  	[dreg:$0x2] =	wrdreg s17  }
0xae: {  	[dreg:$0x3] =	wrdreg s0  }
0xaf: {  	[dreg:$0x4] =	wrdreg s2  }
0xb0: {  	[dreg:$0x5] =	wrdreg $0x9  }
0xb1: {  	_ =	task.clear_ibuf [dreg:s7], $0x6FFFF;
	_ =	strace $0x90000046  }
0xb2: {  	s26 =	simm.s32 $0x9;
	_ =	strace $0x80000048  }
0xb3: {  	_ =	swait.ge [sflag:s26], $0x1  }
0xb4: {  	[sflag:s26] =	ssyncadd.s32 $0xFFFFFFFF  }
0xb5: {  	_ =	strace $0x90000048  }
0xb6: {  	_ =	sfence  }
0xb7: {  	s28 =	sld [smem:$0x0];
	_ =	sdelay $0x1  }
0xb8: {  	s29 =	srdreg.scid  }
0xb9: {  	s30 =	sshll.u32 s29, $0xD;
	s31 =	sshrl.u32 s29, $0x2  }
0xba: {  	s1 =	sand.u32 $0x1, s29;
	s2 =	sand.u32 $0x4000, s30;
	s0 =	sadd.s32 s31, s28  }
0xbb: {  	s1 =	sor.u32 s2, s1;
	s0 =	sshll.u32 s0, $0x11  }
0xbc: {  	s0 =	sor.u32 s0, s1  }
0xbd: {  	s0 =	sadd.s32 $0x8F2B, s0  }
0xbe: {  	[sflag:s0] =	ssyncadd.remote.s32 $0x1  }
0xbf: {  	_ =	sfence.sel $0xFFFF  }
0xc0: {  	[dreg:$0x0] =	wrdreg $0xFFFFFFFF;
	(pc) =	sbr.abs _section_cstart, $3  }
0xc1: {  	[dreg:$0x1] =	wrdreg $0xFFFFFFFF  }
0xc2: {  	_ =	task.clear_ibuf [dreg:s7], $0x2FFFF;
	_ =	strace $0x9FFFFFFF  }
0xc3: {  	(tm) =	ssettm $0x7FFFFFFF  }
tec
execute0_lowered:
.L_overlay_start_1:
0x0: {  	(tag) =	ssettag $0x1  }
0x1: {  	s0 =	rddreg [dreg:$0x0]  }
0x2: {  	s1 =	rddreg [dreg:$0x1]  }
0x3: {  	s2 =	rddreg [dreg:$0x2]  }
0x4: {  	s3 =	rddreg [dreg:$0x3];
	s4 =	simm.s32 $0x0;
	s5 =	stileid.u32  }
0x5: {  	[smem:$0x7FF] =	sst s4;
	p0 =	seq.s32 s5, $0xF  }
0x6: {  	_ =	strace $0x80000047;
	s4 =	sadd.s32 @p0 $0x3C, s1;
	s6 =	simm.s32 @p0 $0x0  }
0x7: {  	[tilespmem:s6], [sflag:$0x2] =	stream.linear.gather @p0 [hbm4b:s4+s6], $0x14, $0x38;
	[tilespmem:$0x100] =	vst v63  }
0x8: {  	s4 =	simm.s32 @p0 $0x2  }
0x9: {  	_ =	swait.ge @p0 [sflag:s4], $0x14  }
0xa: {  	[sflag:s4] =	ssyncset.done @p0 $0x0  }
0xb: {  	s7 =	simm.s32 @p0 $0x14;
	s8 =	simm.s32 @p0 $0x80;
	[sflag:s4] =	ssyncadd.s32 @p0 $0xFFFFFFEC  }
0xc: {  	[tilespmem:s8], [sflag:$0x1] =	stream.indirect.gather @p0 [hbm4b:s0+s7], $0x1, s6, s7, $0xb8;
	[tilespmem:$0x100] =	vst v63  }
0xd: {  	s7 =	simm.s32 @p0 $0x1  }
0xe: {  	_ =	swait.ge @p0 [sflag:s7], $0x14  }
0xf: {  	[sflag:s7] =	ssyncset.done @p0 $0x0  }
0x10: {  	s9 =	sadd.s32 @p0 $0x3C, s2;
	[sflag:s7] =	ssyncadd.s32 @p0 $0xFFFFFFEC  }
0x11: {  	[hbm4b:s9+s6] =	stream.linear.scatter @p0 [tilespmem:s8], [sflag:$0x2], $0x14, $0x38;
	[tilespmem:$0x100] =	vst v63  }
0x12: {  	_ =	swait.ge @p0 [sflag:s4], $0x14  }
0x13: {  	s6 =	sshll.u32 @!p0 s5, $0x2;
	[sflag:s4] =	ssyncset.done @p0 $0x0  }
0x14: {  	s1 =	sadd.s32 @!p0 s1, s6;
	[sflag:s4] =	ssyncadd.s32 @p0 $0xFFFFFFEC;
	s4 =	simm.s32 @!p0 $0x0  }
0x15: {  	[tilespmem:s4], [sflag:$0x2] =	stream.linear.gather @!p0 [hbm4b:s1+s4], $0x20, $0x38;
	[tilespmem:$0x100] =	vst v63  }
0x16: {  	s1 =	simm.s32 @!p0 $0x2  }
0x17: {  	_ =	swait.ge @!p0 [sflag:s1], $0x20  }
0x18: {  	[sflag:s1] =	ssyncset.done @!p0 $0x0  }
0x19: {  	s7 =	simm.s32 @!p0 $0x20;
	s8 =	simm.s32 @!p0 $0x80;
	[sflag:s1] =	ssyncadd.s32 @!p0 $0xFFFFFFE0  }
0x1a: {  	[tilespmem:s8], [sflag:$0x1] =	stream.indirect.gather @!p0 [hbm4b:s0+s7], $0x1, s4, s7, $0xb8;
	[tilespmem:$0x100] =	vst v63  }
0x1b: {  	s0 =	simm.s32 @!p0 $0x1  }
0x1c: {  	_ =	swait.ge @!p0 [sflag:s0], $0x20  }
0x1d: {  	[sflag:s0] =	ssyncset.done @!p0 $0x0  }
0x1e: {  	s2 =	sadd.s32 @!p0 s2, s6;
	[sflag:s0] =	ssyncadd.s32 @!p0 $0xFFFFFFE0  }
0x1f: {  	[hbm4b:s2+s4] =	stream.linear.scatter @!p0 [tilespmem:s8], [sflag:$0x2], $0x20, $0x38;
	[tilespmem:$0x100] =	vst v63  }
0x20: {  	_ =	swait.ge @!p0 [sflag:s1], $0x20  }
0x21: {  	[sflag:s1] =	ssyncset.done @!p0 $0x0  }
0x22: {  	[sflag:s1] =	ssyncadd.s32 @!p0 $0xFFFFFFE0  }
0x23: {  	_ =	sfence.sel $0x180000  }
0x24: {  	[bflag:$0x0] =	sbarrier.arrive $0xFFFF  }
0x25: {  	p0 =	sne.s32 s5, $0x0;
	_ =	strace $0x90000047  }
0x26: {  	s0 =	sadd.s32 @!p0 $0x100000, s3;
	[bflag:$0x2] =	sbarrier.arrive $0xFFFF  }
0x27: {  	[sflag:s0] =	ssyncadd.tile.s32 @!p0 $0x1;
	_ =	shalt  }
.Lfunc_end2:
_tile_overlayer_lowered:
.L_overlay_start_2:
0x28: {  	(tag) =	ssettag $0x2  }
0x29: {  	s0 =	rddreg [dreg:$0x0];
	s2 =	stileid.u32  }
0x2a: {  	s1 =	rddreg [dreg:$0x1];
	p0 =	sne.s32 s2, $0x0  }
0x2b: {  	s3 =	rddreg [dreg:$0x2];
	[bflag:$0x3] =	sbarrier.arrive $0xFFFF;
	s2 =	simm.s32 @!p0 $0x1C02  }
0x2c: {  	[timem:s3], [sflag:s2] =	dma.local @!p0 [hbm:s0], s1  }
0x2d: {  	s0 =	simm.s32 @!p0 $0x2  }
0x2e: {  	_ =	swait.ge @!p0 [sflag:s0], s1  }
0x2f: {  	s1 =	ssub.s32 @!p0 $0x0, s1;
	[sflag:s0] =	ssyncset.done @!p0 $0x0  }
0x30: {  	[sflag:s0] =	ssyncadd.s32 @!p0 s1  }
0x31: {  	[bflag:$0x3] =	sbarrier.arrive $0xFFFF  }
0x32: {  	_ =	shalt  }

</sc_bundles>
